<compile_context>
chip_gen: v7x
topology: tpu7x:2x2x1
jax: 0.10.2.dev20260603
libtpu: 0.0.44.dev20260713+nightly
codegen_flags: <defaults>
</compile_context>

<pallas_src>
import functools

import jax
import jax.numpy as jnp
from jax import lax
from jax.experimental import pallas as pl
from jax.experimental.pallas import tpu as pltpu
from jax.experimental.pallas import tpu_sc as plsc

_B = 4096
_L = 200
_D = 64
_MAX_LEN = 256
_N = _B * _L
_NC = 2
_NS = 16
_NW = _NC * _NS
_LANES = _B // _NW
_ROWS_PER_W = _N // _NW
_LB = 2
_BLKS = _L // _LB
_NBUF = 4


@jax.jit
def _pos_gather(idx_flat, pet_flat):
    mesh = plsc.VectorSubcoreMesh(core_axis_name="c", subcore_axis_name="s")

    @functools.partial(
        pl.kernel,
        mesh=mesh,
        compiler_params=pltpu.CompilerParams(needs_layout_passes=False),
        out_type=jax.ShapeDtypeStruct((_L, _D, _B), jnp.float32),
        scratch_types=[
            pltpu.VMEM((_ROWS_PER_W,), jnp.int32),
            pltpu.VMEM((_D * _MAX_LEN,), jnp.float32),
            pltpu.VMEM((_NBUF, _LB, _D, _LANES), jnp.float32),
            pltpu.SemaphoreType.DMA,
        ],
    )
    def body(idx_hbm, pet_hbm, out_hbm, idx_v, table_v, slab_v, osem):
        wid = lax.axis_index("s") * _NC + lax.axis_index("c")
        pltpu.sync_copy(idx_hbm.at[pl.ds(wid * _ROWS_PER_W, _ROWS_PER_W)],
                        idx_v)
        pltpu.sync_copy(pet_hbm, table_v)

        bstride = lax.iota(jnp.int32, 16) * _L

        def out_slice(blk):
            return out_hbm.at[pl.ds(blk * _LB, _LB), slice(None),
                              pl.ds(wid * _LANES, _LANES)]

        def start_out(blk):
            pltpu.async_copy(slab_v.at[lax.rem(blk, _NBUF)], out_slice(blk),
                             osem)

        def wait_out(blk):
            pltpu.make_async_copy(slab_v.at[lax.rem(blk, _NBUF)],
                                  out_slice(blk), osem).wait()

        def compute_block(blk, slot):
            for lb in range(_LB):
                l = blk * _LB + lb

                def per_group(g, c):
                    flat = bstride + (g * (16 * _L) + l)
                    idx16 = plsc.load_gather(idx_v, [flat])
                    a = jnp.minimum(idx16, _MAX_LEN - 1)

                    @plsc.parallel_loop(0, _D, unroll=16)
                    def _(d):
                        vals = plsc.load_gather(table_v, [a + d * _MAX_LEN])
                        slab_v[slot, lb, d, pl.ds(g * 16, 16)] = vals

                    return c

                lax.fori_loop(0, _LANES // 16, per_group, 0)

        def step(blk, carry):
            slot = lax.rem(blk, _NBUF)

            @pl.when(blk >= _NBUF)
            def _():
                wait_out(blk - _NBUF)

            compute_block(blk, slot)
            start_out(blk)
            return carry

        lax.fori_loop(0, _BLKS, step, 0)

        for blk in range(_BLKS - _NBUF, _BLKS):
            wait_out(blk)

    return body(idx_flat, pet_flat)


def kernel(idx_or_len, pe, device=0):
    idx_flat = idx_or_len.astype(jnp.int32).reshape(_N)
    pet_flat = pe.astype(jnp.float32).T.reshape(_D * _MAX_LEN)
    out_t = _pos_gather(idx_flat, pet_flat)
    return jnp.transpose(out_t, (2, 0, 1))

# --- scband reference (transcript-rebuilt; emitter-appended) ---
"""Pipeline reference for scband-intra-pos-24060406792468 (READ-ONLY COPY).

The authoritative reference and input builder live on the scoring server;
editing this copy changes nothing except your own understanding.
"""

import jax, jax.numpy as jnp
import numpy as np

B = 4096
L = 200
D = 64
MAX_LEN = 256

def setup_inputs(seed: int = 0) -> dict:
    key = jax.random.key(seed)
    k1, k2 = jax.random.split(key)
    idx = jax.random.randint(k1, (B, L), 0, MAX_LEN)
    pe = jax.random.normal(k2, (MAX_LEN, D), dtype=jnp.float32)
    # nn.Embedding(padding_idx=0) initializes row 0 to zeros
    pe = pe.at[0].set(0.0)
    return {"idx_or_len": idx, "pe": pe, "device": 0}

def reference(idx_or_len, pe, device=0):
    # device=0 is falsy -> torch code uses idx's own device; no-op here.
    # forward: clamp_max(max_len-1) then embedding gather; padding row is zero.
    pos = jnp.minimum(idx_or_len, MAX_LEN - 1)
    table = pe.at[0].set(0.0)
    out = jnp.take(table, pos, axis=0)
    return out

if __name__ == "__main__":
    import jax
    _d = setup_inputs()
    print(jax.jit(kernel)(*tuple(_d.values())))

</pallas_src>

<mosaic_0001>
#map = affine_map<(d0, d1) -> (0)>
#map1 = affine_map<(d0, d1) -> (0, 0, 0)>
module attributes {stable_mosaic.version = 14 : i64} {
  func.func @body(%arg0: i32, %arg1: i32, %arg2: memref<819200xi32, #tpu.memory_space<hbm>>, %arg3: memref<16384xf32, #tpu.memory_space<hbm>>, %arg4: memref<200x64x4096xf32, #tpu.memory_space<hbm>>, %arg5: memref<25600xi32, #tpu.memory_space<vmem>>, %arg6: memref<16384xf32, #tpu.memory_space<vmem>>, %arg7: memref<4x2x64x128xf32, #tpu.memory_space<vmem>>, %arg8: memref<!tpu.dma_semaphore, #tpu.memory_space<semaphore_mem>>) attributes {dimension_semantics = [#tpu.dimension_semantics<core_parallel>, #tpu.dimension_semantics<subcore_parallel>], iteration_bounds = array<i64: 2, 16>, scalar_prefetch = 0 : i64, scratch_operands = 4 : i64, tpu.core_type = #tpu.core_type<sc_vector_subcore>, window_params = [{transform_indices = #map}, {transform_indices = #map}, {transform_indices = #map1}]} {
    %mul3A = arith.constant 2 : i32
    %mul3A_0 = arith.muli %arg1, %mul3A : i32
    %add3A = arith.addi %mul3A_0, %arg0 : i32
    %mul3A_1 = arith.constant 25600 : i32
    %mul3A_2 = arith.muli %add3A, %mul3A_1 : i32
    "tpu.region"() ({
      %run_scoped3A = tpu.sem_alloc : memref<!tpu.dma_semaphore, #tpu.memory_space<semaphore_mem>>
      %dma_start3A = tpu.memref_slice %arg2[%mul3A_2] : memref<819200xi32, #tpu.memory_space<hbm>> -> memref<25600xi32, #tpu.memory_space<hbm>>
      %dma_start3A_93 = tpu.memref_slice %arg2[%mul3A_2] : memref<819200xi32, #tpu.memory_space<hbm>> -> memref<25600xi32, #tpu.memory_space<hbm>>
      tpu.enqueue_dma source(%dma_start3A_93 : memref<25600xi32, #tpu.memory_space<hbm>>) target(%arg5 : memref<25600xi32, #tpu.memory_space<vmem>>) target_semaphore(%run_scoped3A : memref<!tpu.dma_semaphore, #tpu.memory_space<semaphore_mem>>)
      %dma_wait3A_94 = tpu.memref_slice %arg2[%mul3A_2] : memref<819200xi32, #tpu.memory_space<hbm>> -> memref<25600xi32, #tpu.memory_space<hbm>>
      %dma_wait3A_95 = tpu.memref_slice %arg2[%mul3A_2] : memref<819200xi32, #tpu.memory_space<hbm>> -> memref<25600xi32, #tpu.memory_space<hbm>>
      tpu.wait_dma2 semaphore(%run_scoped3A : memref<!tpu.dma_semaphore, #tpu.memory_space<semaphore_mem>>) src(%dma_wait3A_95 : memref<25600xi32, #tpu.memory_space<hbm>>) dst(%arg5 : memref<25600xi32, #tpu.memory_space<vmem>>)
      tpu.yield
    }) : () -> ()
    "tpu.region"() ({
      %run_scoped3A = tpu.sem_alloc : memref<!tpu.dma_semaphore, #tpu.memory_space<semaphore_mem>>
      tpu.enqueue_dma source(%arg3 : memref<16384xf32, #tpu.memory_space<hbm>>) target(%arg6 : memref<16384xf32, #tpu.memory_space<vmem>>) target_semaphore(%run_scoped3A : memref<!tpu.dma_semaphore, #tpu.memory_space<semaphore_mem>>)
      tpu.wait_dma2 semaphore(%run_scoped3A : memref<!tpu.dma_semaphore, #tpu.memory_space<semaphore_mem>>) src(%arg3 : memref<16384xf32, #tpu.memory_space<hbm>>) dst(%arg6 : memref<16384xf32, #tpu.memory_space<vmem>>)
      tpu.yield
    }) : () -> ()
    %iota3A = tpu.iota {dimensions = array<i32: 0>} : vector<16xi32>
    %mul3A_3 = arith.constant 200 : i32
    %mul3A_4 = vector.broadcast %mul3A_3 : i32 to vector<16xi32>
    %mul3A_5 = arith.muli %iota3A, %mul3A_4 : vector<16xi32>
    %scan3A = arith.constant 0 : i32
    %scan3A_6 = arith.constant 0 : i32
    %scan3A_7 = arith.constant 100 : i32
    %scan3A_8 = arith.addi %scan3A_6, %scan3A_7 : i32
    %scan3A_9 = arith.constant 1 : i32
    scf.for %scan3A_93 = %scan3A_6 to %scan3A_8 step %scan3A_9  : i32 {
      %rem3A_94 = arith.constant 4 : i32
      %rem3A_95 = arith.remsi %scan3A_93, %rem3A_94 : i32
      %ge3A = arith.constant 4 : i32
      %ge3A_96 = arith.cmpi sge, %scan3A_93, %ge3A : i32
      %convert_element_type3A = arith.extui %ge3A_96 : i1 to i32
      %cond3A = arith.constant 0 : i32
      %cond3A_97 = arith.cmpi ne, %convert_element_type3A, %cond3A : i32
      scf.if %cond3A_97 {
        %sub3A = arith.constant 4 : i32
        %sub3A_137 = arith.subi %scan3A_93, %sub3A : i32
        %rem3A_138 = arith.constant 4 : i32
        %rem3A_139 = arith.remsi %sub3A_137, %rem3A_138 : i32
        %mul3A_140 = arith.constant 2 : i32
        %mul3A_141 = arith.muli %sub3A_137, %mul3A_140 : i32
        %mul3A_142 = arith.constant 128 : i32
        %mul3A_143 = arith.muli %add3A, %mul3A_142 : i32
        %dma_wait3A_144 = arith.constant 0 : i32
        %dma_wait3A_145 = arith.constant 0 : i32
        %dma_wait3A_146 = arith.constant 0 : i32
        %dma_wait3A_147 = tpu.memref_slice %arg7[%rem3A_139, %dma_wait3A_144, %dma_wait3A_145, %dma_wait3A_146] : memref<4x2x64x128xf32, #tpu.memory_space<vmem>> -> memref<1x2x64x128xf32, #tpu.memory_space<vmem>>
        %dma_wait3A_148 = tpu.memref_squeeze %dma_wait3A_147 : memref<1x2x64x128xf32, #tpu.memory_space<vmem>> -> memref<2x64x128xf32, #tpu.memory_space<vmem>>
        %dma_wait3A_149 = arith.constant 0 : i32
        %dma_wait3A_150 = tpu.memref_slice %arg4[%mul3A_141, %dma_wait3A_149, %mul3A_143] : memref<200x64x4096xf32, #tpu.memory_space<hbm>> -> memref<2x64x128xf32, #tpu.memory_space<hbm>>
        %dma_wait3A_151 = arith.constant 0 : i32
        %dma_wait3A_152 = tpu.memref_slice %arg4[%mul3A_141, %dma_wait3A_151, %mul3A_143] : memref<200x64x4096xf32, #tpu.memory_space<hbm>> -> memref<2x64x128xf32, #tpu.memory_space<hbm>>
        %dma_wait3A_153 = arith.constant 0 : i32
        %dma_wait3A_154 = arith.constant 0 : i32
        %dma_wait3A_155 = arith.constant 0 : i32
        %dma_wait3A_156 = tpu.memref_slice %arg7[%rem3A_139, %dma_wait3A_153, %dma_wait3A_154, %dma_wait3A_155] : memref<4x2x64x128xf32, #tpu.memory_space<vmem>> -> memref<1x2x64x128xf32, #tpu.memory_space<vmem>>
        %dma_wait3A_157 = tpu.memref_squeeze %dma_wait3A_156 : memref<1x2x64x128xf32, #tpu.memory_space<vmem>> -> memref<2x64x128xf32, #tpu.memory_space<vmem>>
        tpu.wait_dma2 semaphore(%arg8 : memref<!tpu.dma_semaphore, #tpu.memory_space<semaphore_mem>>) src(%dma_wait3A_157 : memref<2x64x128xf32, #tpu.memory_space<vmem>>) dst(%dma_wait3A_152 : memref<2x64x128xf32, #tpu.memory_space<hbm>>)
      } else {
      }
      %mul3A_98 = arith.constant 2 : i32
      %mul3A_99 = arith.muli %scan3A_93, %mul3A_98 : i32
      %add3A_100 = arith.constant 0 : i32
      %add3A_101 = arith.addi %mul3A_99, %add3A_100 : i32
      %scan3A_102 = arith.constant 0 : i32
      %scan3A_103 = arith.constant 0 : i32
      %scan3A_104 = arith.constant 8 : i32
      %scan3A_105 = arith.addi %scan3A_103, %scan3A_104 : i32
      %scan3A_106 = arith.constant 1 : i32
      scf.for %scan3A_137 = %scan3A_103 to %scan3A_105 step %scan3A_106  : i32 {
        %mul3A_138 = arith.constant 3200 : i32
        %mul3A_139 = arith.muli %scan3A_137, %mul3A_138 : i32
        %add3A_140 = arith.addi %mul3A_139, %add3A_101 : i32
        %add3A_141 = vector.broadcast %add3A_140 : i32 to vector<16xi32>
        %add3A_142 = arith.addi %mul3A_5, %add3A_141 : vector<16xi32>
        %gather3A = tpu.vector_load_idx %arg5[%add3A_142] : memref<25600xi32, #tpu.memory_space<vmem>>[vector<16xi32>], vector<16xi32>,
        %min3A = arith.constant 255 : i32
        %min3A_143 = vector.broadcast %min3A : i32 to vector<16xi32>
        %min3A_144 = arith.minsi %gather3A, %min3A_143 : vector<16xi32>
        %parallel_loop3A = arith.constant 0 : i32
        %parallel_loop3A_145 = arith.constant 64 : i32
        %parallel_loop3A_146 = arith.constant 1 : i32
        scf.for %parallel_loop3A_147 = %parallel_loop3A to %parallel_loop3A_145 step %parallel_loop3A_146  : i32 {
          %parallel_loop3A_148 = arith.constant 256 : i32
          %parallel_loop3A_149 = arith.muli %parallel_loop3A_147, %parallel_loop3A_148 : i32
          %parallel_loop3A_150 = vector.broadcast %parallel_loop3A_149 : i32 to vector<16xi32>
          %parallel_loop3A_151 = arith.addi %min3A_144, %parallel_loop3A_150 : vector<16xi32>
          %parallel_loop3A_152 = tpu.vector_load_idx %arg6[%parallel_loop3A_151] : memref<16384xf32, #tpu.memory_space<vmem>>[vector<16xi32>], vector<16xf32>,
          %parallel_loop3A_153 = arith.constant 16 : i32
          %parallel_loop3A_154 = arith.muli %scan3A_137, %parallel_loop3A_153 : i32
          %parallel_loop3A_155 = arith.constant 0 : i32
          %parallel_loop3A_156 = arith.index_cast %rem3A_95 : i32 to index
          %parallel_loop3A_157 = arith.index_cast %parallel_loop3A_155 : i32 to index
          %parallel_loop3A_158 = arith.index_cast %parallel_loop3A_147 : i32 to index
          %parallel_loop3A_159 = arith.index_cast %parallel_loop3A_154 : i32 to index
          %parallel_loop3A_160 = tpu.vector_load %arg7[%parallel_loop3A_156, %parallel_loop3A_157, %parallel_loop3A_158, %parallel_loop3A_159] {strides = array<i32>} : memref<4x2x64x128xf32, #tpu.memory_space<vmem>>, vector<16xf32>,
          tpu.vector_store %arg7[%parallel_loop3A_156, %parallel_loop3A_157, %parallel_loop3A_158, %parallel_loop3A_159], %parallel_loop3A_152 {strides = array<i32>} : memref<4x2x64x128xf32, #tpu.memory_space<vmem>>, vector<16xf32>,
        } {sc.loop_unroll_factor = 16 : i64, sc.parallel_access}
      }
      %scan3A_107 = arith.constant 8 : i32
      %mul3A_108 = arith.constant 2 : i32
      %mul3A_109 = arith.muli %scan3A_93, %mul3A_108 : i32
      %add3A_110 = arith.constant 1 : i32
      %add3A_111 = arith.addi %mul3A_109, %add3A_110 : i32
      %scan3A_112 = arith.constant 0 : i32
      %scan3A_113 = arith.constant 0 : i32
      %scan3A_114 = arith.constant 8 : i32
      %scan3A_115 = arith.addi %scan3A_113, %scan3A_114 : i32
      %scan3A_116 = arith.constant 1 : i32
      scf.for %scan3A_137 = %scan3A_113 to %scan3A_115 step %scan3A_116  : i32 {
        %mul3A_138 = arith.constant 3200 : i32
        %mul3A_139 = arith.muli %scan3A_137, %mul3A_138 : i32
        %add3A_140 = arith.addi %mul3A_139, %add3A_111 : i32
        %add3A_141 = vector.broadcast %add3A_140 : i32 to vector<16xi32>
        %add3A_142 = arith.addi %mul3A_5, %add3A_141 : vector<16xi32>
        %gather3A = tpu.vector_load_idx %arg5[%add3A_142] : memref<25600xi32, #tpu.memory_space<vmem>>[vector<16xi32>], vector<16xi32>,
        %min3A = arith.constant 255 : i32
        %min3A_143 = vector.broadcast %min3A : i32 to vector<16xi32>
        %min3A_144 = arith.minsi %gather3A, %min3A_143 : vector<16xi32>
        %parallel_loop3A = arith.constant 0 : i32
        %parallel_loop3A_145 = arith.constant 64 : i32
        %parallel_loop3A_146 = arith.constant 1 : i32
        scf.for %parallel_loop3A_147 = %parallel_loop3A to %parallel_loop3A_145 step %parallel_loop3A_146  : i32 {
          %parallel_loop3A_148 = arith.constant 256 : i32
          %parallel_loop3A_149 = arith.muli %parallel_loop3A_147, %parallel_loop3A_148 : i32
          %parallel_loop3A_150 = vector.broadcast %parallel_loop3A_149 : i32 to vector<16xi32>
          %parallel_loop3A_151 = arith.addi %min3A_144, %parallel_loop3A_150 : vector<16xi32>
          %parallel_loop3A_152 = tpu.vector_load_idx %arg6[%parallel_loop3A_151] : memref<16384xf32, #tpu.memory_space<vmem>>[vector<16xi32>], vector<16xf32>,
          %parallel_loop3A_153 = arith.constant 16 : i32
          %parallel_loop3A_154 = arith.muli %scan3A_137, %parallel_loop3A_153 : i32
          %parallel_loop3A_155 = arith.constant 1 : i32
          %parallel_loop3A_156 = arith.index_cast %rem3A_95 : i32 to index
          %parallel_loop3A_157 = arith.index_cast %parallel_loop3A_155 : i32 to index
          %parallel_loop3A_158 = arith.index_cast %parallel_loop3A_147 : i32 to index
          %parallel_loop3A_159 = arith.index_cast %parallel_loop3A_154 : i32 to index
          %parallel_loop3A_160 = tpu.vector_load %arg7[%parallel_loop3A_156, %parallel_loop3A_157, %parallel_loop3A_158, %parallel_loop3A_159] {strides = array<i32>} : memref<4x2x64x128xf32, #tpu.memory_space<vmem>>, vector<16xf32>,
          tpu.vector_store %arg7[%parallel_loop3A_156, %parallel_loop3A_157, %parallel_loop3A_158, %parallel_loop3A_159], %parallel_loop3A_152 {strides = array<i32>} : memref<4x2x64x128xf32, #tpu.memory_space<vmem>>, vector<16xf32>,
        } {sc.loop_unroll_factor = 16 : i64, sc.parallel_access}
      }
      %scan3A_117 = arith.constant 8 : i32
      %rem3A_118 = arith.constant 4 : i32
      %rem3A_119 = arith.remsi %scan3A_93, %rem3A_118 : i32
      %mul3A_120 = arith.constant 2 : i32
      %mul3A_121 = arith.muli %scan3A_93, %mul3A_120 : i32
      %mul3A_122 = arith.constant 128 : i32
      %mul3A_123 = arith.muli %add3A, %mul3A_122 : i32
      %dma_start3A = arith.constant 0 : i32
      %dma_start3A_124 = arith.constant 0 : i32
      %dma_start3A_125 = arith.constant 0 : i32
      %dma_start3A_126 = tpu.memref_slice %arg7[%rem3A_119, %dma_start3A, %dma_start3A_124, %dma_start3A_125] : memref<4x2x64x128xf32, #tpu.memory_space<vmem>> -> memref<1x2x64x128xf32, #tpu.memory_space<vmem>>
      %dma_start3A_127 = tpu.memref_squeeze %dma_start3A_126 : memref<1x2x64x128xf32, #tpu.memory_space<vmem>> -> memref<2x64x128xf32, #tpu.memory_space<vmem>>
      %dma_start3A_128 = arith.constant 0 : i32
      %dma_start3A_129 = tpu.memref_slice %arg4[%mul3A_121, %dma_start3A_128, %mul3A_123] : memref<200x64x4096xf32, #tpu.memory_space<hbm>> -> memref<2x64x128xf32, #tpu.memory_space<hbm>>
      %dma_start3A_130 = arith.constant 0 : i32
      %dma_start3A_131 = tpu.memref_slice %arg4[%mul3A_121, %dma_start3A_130, %mul3A_123] : memref<200x64x4096xf32, #tpu.memory_space<hbm>> -> memref<2x64x128xf32, #tpu.memory_space<hbm>>
      %dma_start3A_132 = arith.constant 0 : i32
      %dma_start3A_133 = arith.constant 0 : i32
      %dma_start3A_134 = arith.constant 0 : i32
      %dma_start3A_135 = tpu.memref_slice %arg7[%rem3A_119, %dma_start3A_132, %dma_start3A_133, %dma_start3A_134] : memref<4x2x64x128xf32, #tpu.memory_space<vmem>> -> memref<1x2x64x128xf32, #tpu.memory_space<vmem>>
      %dma_start3A_136 = tpu.memref_squeeze %dma_start3A_135 : memref<1x2x64x128xf32, #tpu.memory_space<vmem>> -> memref<2x64x128xf32, #tpu.memory_space<vmem>>
      tpu.enqueue_dma source(%dma_start3A_136 : memref<2x64x128xf32, #tpu.memory_space<vmem>>) target(%dma_start3A_131 : memref<2x64x128xf32, #tpu.memory_space<hbm>>) target_semaphore(%arg8 : memref<!tpu.dma_semaphore, #tpu.memory_space<semaphore_mem>>)
    }
    %scan3A_10 = arith.constant 100 : i32
    %rem3A = arith.constant 96 : i32
    %rem3A_11 = arith.constant 4 : i32
    %rem3A_12 = arith.remsi %rem3A, %rem3A_11 : i32
    %mul3A_13 = arith.constant 128 : i32
    %mul3A_14 = arith.muli %add3A, %mul3A_13 : i32
    %dma_wait3A = arith.constant 0 : i32
    %dma_wait3A_15 = arith.constant 0 : i32
    %dma_wait3A_16 = arith.constant 0 : i32
    %dma_wait3A_17 = tpu.memref_slice %arg7[%rem3A_12, %dma_wait3A, %dma_wait3A_15, %dma_wait3A_16] : memref<4x2x64x128xf32, #tpu.memory_space<vmem>> -> memref<1x2x64x128xf32, #tpu.memory_space<vmem>>
    %dma_wait3A_18 = tpu.memref_squeeze %dma_wait3A_17 : memref<1x2x64x128xf32, #tpu.memory_space<vmem>> -> memref<2x64x128xf32, #tpu.memory_space<vmem>>
    %dma_wait3A_19 = arith.constant 192 : i32
    %dma_wait3A_20 = arith.constant 0 : i32
    %dma_wait3A_21 = tpu.memref_slice %arg4[%dma_wait3A_19, %dma_wait3A_20, %mul3A_14] : memref<200x64x4096xf32, #tpu.memory_space<hbm>> -> memref<2x64x128xf32, #tpu.memory_space<hbm>>
    %dma_wait3A_22 = arith.constant 192 : i32
    %dma_wait3A_23 = arith.constant 0 : i32
    %dma_wait3A_24 = tpu.memref_slice %arg4[%dma_wait3A_22, %dma_wait3A_23, %mul3A_14] : memref<200x64x4096xf32, #tpu.memory_space<hbm>> -> memref<2x64x128xf32, #tpu.memory_space<hbm>>
    %dma_wait3A_25 = arith.constant 0 : i32
    %dma_wait3A_26 = arith.constant 0 : i32
    %dma_wait3A_27 = arith.constant 0 : i32
    %dma_wait3A_28 = tpu.memref_slice %arg7[%rem3A_12, %dma_wait3A_25, %dma_wait3A_26, %dma_wait3A_27] : memref<4x2x64x128xf32, #tpu.memory_space<vmem>> -> memref<1x2x64x128xf32, #tpu.memory_space<vmem>>
    %dma_wait3A_29 = tpu.memref_squeeze %dma_wait3A_28 : memref<1x2x64x128xf32, #tpu.memory_space<vmem>> -> memref<2x64x128xf32, #tpu.memory_space<vmem>>
    tpu.wait_dma2 semaphore(%arg8 : memref<!tpu.dma_semaphore, #tpu.memory_space<semaphore_mem>>) src(%dma_wait3A_29 : memref<2x64x128xf32, #tpu.memory_space<vmem>>) dst(%dma_wait3A_24 : memref<2x64x128xf32, #tpu.memory_space<hbm>>)
    %rem3A_30 = arith.constant 97 : i32
    %rem3A_31 = arith.constant 4 : i32
    %rem3A_32 = arith.remsi %rem3A_30, %rem3A_31 : i32
    %mul3A_33 = arith.constant 128 : i32
    %mul3A_34 = arith.muli %add3A, %mul3A_33 : i32
    %dma_wait3A_35 = arith.constant 0 : i32
    %dma_wait3A_36 = arith.constant 0 : i32
    %dma_wait3A_37 = arith.constant 0 : i32
    %dma_wait3A_38 = tpu.memref_slice %arg7[%rem3A_32, %dma_wait3A_35, %dma_wait3A_36, %dma_wait3A_37] : memref<4x2x64x128xf32, #tpu.memory_space<vmem>> -> memref<1x2x64x128xf32, #tpu.memory_space<vmem>>
    %dma_wait3A_39 = tpu.memref_squeeze %dma_wait3A_38 : memref<1x2x64x128xf32, #tpu.memory_space<vmem>> -> memref<2x64x128xf32, #tpu.memory_space<vmem>>
    %dma_wait3A_40 = arith.constant 194 : i32
    %dma_wait3A_41 = arith.constant 0 : i32
    %dma_wait3A_42 = tpu.memref_slice %arg4[%dma_wait3A_40, %dma_wait3A_41, %mul3A_34] : memref<200x64x4096xf32, #tpu.memory_space<hbm>> -> memref<2x64x128xf32, #tpu.memory_space<hbm>>
    %dma_wait3A_43 = arith.constant 194 : i32
    %dma_wait3A_44 = arith.constant 0 : i32
    %dma_wait3A_45 = tpu.memref_slice %arg4[%dma_wait3A_43, %dma_wait3A_44, %mul3A_34] : memref<200x64x4096xf32, #tpu.memory_space<hbm>> -> memref<2x64x128xf32, #tpu.memory_space<hbm>>
    %dma_wait3A_46 = arith.constant 0 : i32
    %dma_wait3A_47 = arith.constant 0 : i32
    %dma_wait3A_48 = arith.constant 0 : i32
    %dma_wait3A_49 = tpu.memref_slice %arg7[%rem3A_32, %dma_wait3A_46, %dma_wait3A_47, %dma_wait3A_48] : memref<4x2x64x128xf32, #tpu.memory_space<vmem>> -> memref<1x2x64x128xf32, #tpu.memory_space<vmem>>
    %dma_wait3A_50 = tpu.memref_squeeze %dma_wait3A_49 : memref<1x2x64x128xf32, #tpu.memory_space<vmem>> -> memref<2x64x128xf32, #tpu.memory_space<vmem>>
    tpu.wait_dma2 semaphore(%arg8 : memref<!tpu.dma_semaphore, #tpu.memory_space<semaphore_mem>>) src(%dma_wait3A_50 : memref<2x64x128xf32, #tpu.memory_space<vmem>>) dst(%dma_wait3A_45 : memref<2x64x128xf32, #tpu.memory_space<hbm>>)
    %rem3A_51 = arith.constant 98 : i32
    %rem3A_52 = arith.constant 4 : i32
    %rem3A_53 = arith.remsi %rem3A_51, %rem3A_52 : i32
    %mul3A_54 = arith.constant 128 : i32
    %mul3A_55 = arith.muli %add3A, %mul3A_54 : i32
    %dma_wait3A_56 = arith.constant 0 : i32
    %dma_wait3A_57 = arith.constant 0 : i32
    %dma_wait3A_58 = arith.constant 0 : i32
    %dma_wait3A_59 = tpu.memref_slice %arg7[%rem3A_53, %dma_wait3A_56, %dma_wait3A_57, %dma_wait3A_58] : memref<4x2x64x128xf32, #tpu.memory_space<vmem>> -> memref<1x2x64x128xf32, #tpu.memory_space<vmem>>
    %dma_wait3A_60 = tpu.memref_squeeze %dma_wait3A_59 : memref<1x2x64x128xf32, #tpu.memory_space<vmem>> -> memref<2x64x128xf32, #tpu.memory_space<vmem>>
    %dma_wait3A_61 = arith.constant 196 : i32
    %dma_wait3A_62 = arith.constant 0 : i32
    %dma_wait3A_63 = tpu.memref_slice %arg4[%dma_wait3A_61, %dma_wait3A_62, %mul3A_55] : memref<200x64x4096xf32, #tpu.memory_space<hbm>> -> memref<2x64x128xf32, #tpu.memory_space<hbm>>
    %dma_wait3A_64 = arith.constant 196 : i32
    %dma_wait3A_65 = arith.constant 0 : i32
    %dma_wait3A_66 = tpu.memref_slice %arg4[%dma_wait3A_64, %dma_wait3A_65, %mul3A_55] : memref<200x64x4096xf32, #tpu.memory_space<hbm>> -> memref<2x64x128xf32, #tpu.memory_space<hbm>>
    %dma_wait3A_67 = arith.constant 0 : i32
    %dma_wait3A_68 = arith.constant 0 : i32
    %dma_wait3A_69 = arith.constant 0 : i32
    %dma_wait3A_70 = tpu.memref_slice %arg7[%rem3A_53, %dma_wait3A_67, %dma_wait3A_68, %dma_wait3A_69] : memref<4x2x64x128xf32, #tpu.memory_space<vmem>> -> memref<1x2x64x128xf32, #tpu.memory_space<vmem>>
    %dma_wait3A_71 = tpu.memref_squeeze %dma_wait3A_70 : memref<1x2x64x128xf32, #tpu.memory_space<vmem>> -> memref<2x64x128xf32, #tpu.memory_space<vmem>>
    tpu.wait_dma2 semaphore(%arg8 : memref<!tpu.dma_semaphore, #tpu.memory_space<semaphore_mem>>) src(%dma_wait3A_71 : memref<2x64x128xf32, #tpu.memory_space<vmem>>) dst(%dma_wait3A_66 : memref<2x64x128xf32, #tpu.memory_space<hbm>>)
    %rem3A_72 = arith.constant 99 : i32
    %rem3A_73 = arith.constant 4 : i32
    %rem3A_74 = arith.remsi %rem3A_72, %rem3A_73 : i32
    %mul3A_75 = arith.constant 128 : i32
    %mul3A_76 = arith.muli %add3A, %mul3A_75 : i32
    %dma_wait3A_77 = arith.constant 0 : i32
    %dma_wait3A_78 = arith.constant 0 : i32
    %dma_wait3A_79 = arith.constant 0 : i32
    %dma_wait3A_80 = tpu.memref_slice %arg7[%rem3A_74, %dma_wait3A_77, %dma_wait3A_78, %dma_wait3A_79] : memref<4x2x64x128xf32, #tpu.memory_space<vmem>> -> memref<1x2x64x128xf32, #tpu.memory_space<vmem>>
    %dma_wait3A_81 = tpu.memref_squeeze %dma_wait3A_80 : memref<1x2x64x128xf32, #tpu.memory_space<vmem>> -> memref<2x64x128xf32, #tpu.memory_space<vmem>>
    %dma_wait3A_82 = arith.constant 198 : i32
    %dma_wait3A_83 = arith.constant 0 : i32
    %dma_wait3A_84 = tpu.memref_slice %arg4[%dma_wait3A_82, %dma_wait3A_83, %mul3A_76] : memref<200x64x4096xf32, #tpu.memory_space<hbm>> -> memref<2x64x128xf32, #tpu.memory_space<hbm>>
    %dma_wait3A_85 = arith.constant 198 : i32
    %dma_wait3A_86 = arith.constant 0 : i32
    %dma_wait3A_87 = tpu.memref_slice %arg4[%dma_wait3A_85, %dma_wait3A_86, %mul3A_76] : memref<200x64x4096xf32, #tpu.memory_space<hbm>> -> memref<2x64x128xf32, #tpu.memory_space<hbm>>
    %dma_wait3A_88 = arith.constant 0 : i32
    %dma_wait3A_89 = arith.constant 0 : i32
    %dma_wait3A_90 = arith.constant 0 : i32
    %dma_wait3A_91 = tpu.memref_slice %arg7[%rem3A_74, %dma_wait3A_88, %dma_wait3A_89, %dma_wait3A_90] : memref<4x2x64x128xf32, #tpu.memory_space<vmem>> -> memref<1x2x64x128xf32, #tpu.memory_space<vmem>>
    %dma_wait3A_92 = tpu.memref_squeeze %dma_wait3A_91 : memref<1x2x64x128xf32, #tpu.memory_space<vmem>> -> memref<2x64x128xf32, #tpu.memory_space<vmem>>
    tpu.wait_dma2 semaphore(%arg8 : memref<!tpu.dma_semaphore, #tpu.memory_space<semaphore_mem>>) src(%dma_wait3A_92 : memref<2x64x128xf32, #tpu.memory_space<vmem>>) dst(%dma_wait3A_87 : memref<2x64x128xf32, #tpu.memory_space<hbm>>)
    return
  }
}

</mosaic_0001>

<sc_bundles>
// kernel: _pos_gather.3.cloned.1.call-start
scs
__scs_entry_jumppad:
0x0: {  	(pc) =	sbr.rel $0x88, $3  }
0x1: {  	(tag) =	ssettag $0x0;
	lr =	simm.s32 $0x1  }
0x2: {  	[smem:$0x3F9F] =	sst lr;
	_ =	strace $0xD0000000  }
0x3: {  	_ = 	snop  }
0x4: {  	_ = 	snop  }
0x5: {  	_ = 	snop  }
0x6: {  	_ = 	snop  }
0x7: {  	_ = 	snop  }
__scs_overlays_trampoline_lowered:
0x8: {  	[smem:$0x3FAE] =	sst s0  }
0x9: {  	[smem:$0x3FAF] =	sst s1  }
0xa: {  	[smem:$0x3FB0] =	sst s2  }
0xb: {  	[smem:$0x3FB1] =	sst s3  }
0xc: {  	[smem:$0x3FB2] =	sst s4  }
0xd: {  	[smem:$0x3FB3] =	sst s5  }
0xe: {  	[smem:$0x3FB4] =	sst s6  }
0xf: {  	[smem:$0x3FB5] =	sst s7  }
0x10: {  	[smem:$0x3FB6] =	sst s8  }
0x11: {  	[smem:$0x3FB7] =	sst s9;
	s0 =	simm.s32 @!p0 $0x0  }
0x12: {  	s1 =	sld [smem:$0x3F9D];
	s0 =	simm.s32 @p0 $0x1  }
0x13: {  	[smem:$0x3FB8] =	sst s0;
	s0 =	simm.s32 @!p1 $0x0  }
0x14: {  	s2 =	sld [smem:$0x3F9C];
	s0 =	simm.s32 @p1 $0x1  }
0x15: {  	[smem:$0x3FB9] =	sst s0;
	s0 =	simm.s32 @!p2 $0x0  }
0x16: {  	s3 =	sld [smem:$0x3FDB];
	s0 =	simm.s32 @p2 $0x1  }
0x17: {  	s4 =	simm.s32 $0x1BF5;
	[smem:$0x3FBB] =	sst s0  }
0x18: {  	s0 =	sld [smem:$0x3F9E];
	_ =	swait.ge [sflag:s4], $0x0  }
0x19: {  	s7 =	sld [smem:$0x3F9F]  }
0x1a: {  	s8 =	sadd.s32 $0xFFFFE003, lr  }
0x1b: {  	s9 =	sadd.s32 $0xFFFFFEF7, lr;
	s5 =	simm.s32 $0xFFFFFFFF;
	p2 =	slt.u32 s8, $0xFFFFF086  }
0x1c: {  	p1 =	slt.u32 s9, $0xF7A;
	s5 =	simm.s32 @!p2 $0x0  }
0x1d: {  	s5 =	simm.s32 @p1 $0x1;
	p0 =	seq.s32 s7, s2  }
0x1e: {  	s7 =	smul.u32 @!p0 $0xF7A, s2;
	p2 =	seq.s32 @!p0 s5, $0x0  }
0x1f: {  	s9 =	smul.u32 $0xF7A, s1;
	s8 =	simm.s32 @!p0 $0x1BF5;
	p2 =	por !p2, p0  }
0x20: {  	[sflag:s8] =	ssyncset.s32 @!p0 $0xFFFFF086;
	s6 =	sadd.s32 @!p0 s3, s7;
	s7 =	simm.s32 @!p0 $0x108  }
0x21: {  	s3 =	sadd.s32 s3, s9;
	s6 =	sadd.s32 @!p0 $0x88, s6;
	s7 =	simm.s32 @p2 $0x1082  }
0x22: {  	[simem:s7], [sflag:s8] =	dma.local @!p0 [hbm:s6], $0xF7A  }
0x23: {  	s9 =	sor.u32 $0xD0000000, s2;
	s6 =	simm.s32 $0x108;
	_ =	swait.ge @!p0 [sflag:s8], $0x0  }
0x24: {  	s3 =	sadd.s32 $0x88, s3;
	s6 =	simm.s32 @!p1 $0x1082;
	[sflag:s4] =	ssyncset.s32 $0xFFFFF086  }
0x25: {  	[simem:s6], [sflag:s4] =	dma.local [hbm:s3], $0xF7A  }
0x26: {  	[smem:$0x3F9F] =	sst s1;
	(tag) =	ssettag s2;
	_ =	strace s9  }
0x27: {  	s1 =	sld [smem:$0x3FAF]  }
0x28: {  	s2 =	sld [smem:$0x3FB0]  }
0x29: {  	s4 =	sld [smem:$0x3FB2]  }
0x2a: {  	p0 =	seq.s32 s5, $0x0;
	s5 =	sld [smem:$0x3FB3]  }
0x2b: {  	s6 =	sld [smem:$0x3FB4]  }
0x2c: {  	s7 =	sld [smem:$0x3FB5]  }
0x2d: {  	s3 =	simm.s32 $0x108;
	s8 =	sld [smem:$0x3FB6]  }
0x2e: {  	s3 =	simm.s32 @!p0 $0x1082;
	s9 =	sld [smem:$0x3FB7]  }
0x2f: {  	lr =	sadd.s32 s0, s3;
	s0 =	sld [smem:$0x3FAE]  }
0x30: {  	s3 =	sld [smem:$0x3FB1]  }
0x31: {  	[smem:$0x3FBA] =	sst s10  }
0x32: {  	s10 =	sld [smem:$0x3FB8];
	_ =	sdelay $0x3  }
0x33: {  	p0 =	seq.s32 s10, $0x1;
	s10 =	sld [smem:$0x3FBA];
	_ =	sdelay $0x3  }
0x34: {  	[smem:$0x3FBA] =	sst s10  }
0x35: {  	s10 =	sld [smem:$0x3FB9];
	_ =	sdelay $0x3  }
0x36: {  	p1 =	seq.s32 s10, $0x1;
	s10 =	sld [smem:$0x3FBA];
	_ =	sdelay $0x3  }
0x37: {  	[smem:$0x3FBA] =	sst s10  }
0x38: {  	s10 =	sld [smem:$0x3FBB]  }
0x39: {  	_ = 	snop;
	(pc) =	sbr.ind lr, $3  }
0x3a: {  	_ = 	snop  }
0x3b: {  	_ = 	snop  }
0x3c: {  	p2 =	seq.s32 s10, $0x1;
	s10 =	sld [smem:$0x3FBA]  }
0x3d: {  	_ =	shalt  }
0x3e: {  	_ =	shalt  }
0x3f: {  	_ =	shalt  }
0x40: {  	_ =	shalt  }
0x41: {  	_ =	shalt  }
0x42: {  	_ =	shalt  }
0x43: {  	_ =	shalt  }
0x44: {  	_ =	shalt  }
0x45: {  	_ =	shalt  }
0x46: {  	_ =	shalt  }
0x47: {  	_ =	shalt  }
0x48: {  	_ =	shalt  }
0x49: {  	_ =	shalt  }
0x4a: {  	_ =	shalt  }
0x4b: {  	_ =	shalt  }
0x4c: {  	_ =	shalt  }
0x4d: {  	_ =	shalt  }
0x4e: {  	_ =	shalt  }
0x4f: {  	_ =	shalt  }
0x50: {  	_ =	shalt  }
0x51: {  	_ =	shalt  }
0x52: {  	_ =	shalt  }
0x53: {  	_ =	shalt  }
0x54: {  	_ =	shalt  }
0x55: {  	_ =	shalt  }
0x56: {  	_ =	shalt  }
0x57: {  	_ =	shalt  }
0x58: {  	_ =	shalt  }
0x59: {  	_ =	shalt  }
0x5a: {  	_ =	shalt  }
0x5b: {  	_ =	shalt  }
0x5c: {  	_ =	shalt  }
0x5d: {  	_ =	shalt  }
0x5e: {  	_ =	shalt  }
0x5f: {  	_ =	shalt  }
0x60: {  	_ =	shalt  }
0x61: {  	_ =	shalt  }
0x62: {  	_ =	shalt  }
0x63: {  	_ =	shalt  }
0x64: {  	_ =	shalt  }
0x65: {  	_ =	shalt  }
0x66: {  	_ =	shalt  }
0x67: {  	_ =	shalt  }
0x68: {  	_ =	shalt  }
0x69: {  	_ =	shalt  }
0x6a: {  	_ =	shalt  }
0x6b: {  	_ =	shalt  }
0x6c: {  	_ =	shalt  }
0x6d: {  	_ =	shalt  }
0x6e: {  	_ =	shalt  }
0x6f: {  	_ =	shalt  }
0x70: {  	_ =	shalt  }
0x71: {  	_ =	shalt  }
0x72: {  	_ =	shalt  }
0x73: {  	_ =	shalt  }
0x74: {  	_ =	shalt  }
0x75: {  	_ =	shalt  }
0x76: {  	_ =	shalt  }
0x77: {  	_ =	shalt  }
0x78: {  	_ =	shalt  }
0x79: {  	_ =	shalt  }
0x7a: {  	_ =	shalt  }
0x7b: {  	_ =	shalt  }
0x7c: {  	_ =	shalt  }
0x7d: {  	_ =	shalt  }
0x7e: {  	_ =	shalt  }
0x7f: {  	_ =	shalt  }
0x80: {  	_ =	shalt  }
0x81: {  	_ =	shalt  }
0x82: {  	_ =	shalt  }
0x83: {  	_ =	shalt  }
0x84: {  	_ =	shalt  }
0x85: {  	_ =	shalt  }
0x86: {  	_ =	shalt  }
0x87: {  	_ =	shalt  }
.Lfunc_end0:
.L_simem_size_0:
called_computation_lowered:
.L_overlay_start_0:
0x88: {  	s2 =	sld [smem:$0x3FD9]  }
0x89: {  	s3 =	sld [smem:$0x3FFE];
	_ =	sdelay $0x1  }
0x8a: {  	s1 =	srdreg.scid  }
0x8b: {  	s0 =	sand.u32 $0x1, s1  }
0x8c: {  	s18 =	sshll.u32 s0, $0xA;
	s2 =	sadd.s32 s3, s2  }
0x8d: {  	s2 =	sadd.s32 s2, s18  }
0x8e: {  	[smem:$0x3FC6] =	sst s2  }
0x8f: {  	_ = 	snop  }
0x90: {  	s2 =	sld [smem:$0x3FC9]  }
0x91: {  	s19 =	sld [smem:$0x3FC8]  }
0x92: {  	s4 =	sld [smem:$0x3FD0];
	(tm) =	ssettm $0x1  }
0x93: {  	s5 =	sld [smem:$0x3FFB];
	_ =	sdelay $0x3  }
0x94: {  	_ =	strace s5  }
0x95: {  	s5 =	sld [smem:$0x3FFC];
	_ =	sdelay $0x3  }
0x96: {  	_ =	strace s5  }
0x97: {  	s5 =	sld [smem:$0x3FFD];
	_ =	sdelay $0x3  }
0x98: {  	_ =	strace s5  }
0x99: {  	_ =	strace $0x8FFFFFFF  }
0x9a: {  	s20 =	sld [smem:$0x3FDB];
	_ =	sdelay $0x1  }
0x9b: {  	s6 =	simm.s32 $_scs_section_size  }
0x9c: {  	s7 =	simm.s32 $_size__tile_overlayer_lowered;
	s8 =	simm.s32 $_tile_overlayer_lowered  }
0x9d: {  	s23 =	simm.s32 $0x1BFF;
	s22 =	sshll.u32 s8, $0x1;
	s5 =	sadd.s32 s6, s20  }
0x9e: {  	s9 =	simm.s32 $0x0;
	s21 =	sshll.u32 s7, $0x1;
	s7 =	sadd.s32 s22, s5  }
0x9f: {  	[timem:s9], [sflag:s23] =	dma.local [hbm:s7], s21  }
0xa0: {  	_ =	swait.ge [sflag:s23], s21  }
0xa1: {  	s6 =	ssub.s32 $0x0, s21;
	[sflag:s23] =	ssyncset.done $0x0  }
0xa2: {  	[sflag:s23] =	ssyncadd.s32 s6;
	_ =	sdelay $0x1  }
0xa3: {  	s24 =	simm.s32 $0x1B8B  }
0xa4: {  	_ =	swait.ge [sflag:s24], $0x1  }
0xa5: {  	[sflag:s24] =	ssyncset.done $0x0  }
0xa6: {  	s25 =	simm.s32 $0x1B8E;
	[sflag:s24] =	ssyncadd.s32 $0xFFFFFFFF  }
0xa7: {  	s26 =	simm.s32 $execute0_lowered;
	[smem:$0x3FD2] =	sst s25  }
0xa8: {  	s6 =	sshll.u32 s26, $0x1;
	_ =	strace $0x80000046;
	[dreg:$0x1] =	wrdreg $0xFFFFFFFF  }
0xa9: {  	s28 =	simm.s32 $_size_execute0_lowered;
	s5 =	sadd.s32 s5, s6;
	[dreg:$0x0] =	wrdreg $0x0  }
0xaa: {  	s6 =	sshll.u32 s28, $0x1;
	[dreg:$0x2] =	wrdreg s5  }
0xab: {  	[dreg:$0x3] =	wrdreg s6  }
0xac: {  	[dreg:$0x4] =	wrdreg $0xC0  }
0xad: {  	_ =	task [dreg:s9], $0x5FFFF  }
0xae: {  	[dreg:$0x1] =	wrdreg $0xFFFFFFFF  }
0xaf: {  	[dreg:$0x0] =	wrdreg $0x60  }
0xb0: {  	[dreg:$0x2] =	wrdreg s2  }
0xb1: {  	[dreg:$0x3] =	wrdreg s19  }
0xb2: {  	[dreg:$0x4] =	wrdreg s4  }
0xb3: {  	[dreg:$0x5] =	wrdreg $0x9  }
0xb4: {  	_ =	task.clear_ibuf [dreg:s9], $0x6FFFF;
	_ =	strace $0x90000046  }
0xb5: {  	s29 =	simm.s32 $0x9;
	_ =	strace $0x80000048  }
0xb6: {  	_ =	swait.ge [sflag:s29], $0x1  }
0xb7: {  	[sflag:s29] =	ssyncadd.s32 $0xFFFFFFFF  }
0xb8: {  	_ =	strace $0x90000048  }
0xb9: {  	_ =	sfence  }
0xba: {  	s30 =	sld [smem:$0x0];
	_ =	sdelay $0x2  }
0xbb: {  	s31 =	sshll.u32 s1, $0xD;
	s1 =	sshrl.u32 s1, $0x2  }
0xbc: {  	s3 =	sand.u32 $0x4000, s31;
	s1 =	sadd.s32 s1, s30  }
0xbd: {  	s0 =	sor.u32 s3, s0;
	s1 =	sshll.u32 s1, $0x11  }
0xbe: {  	s0 =	sor.u32 s1, s0  }
0xbf: {  	s0 =	sadd.s32 $0x8F2B, s0  }
0xc0: {  	[sflag:s0] =	ssyncadd.remote.s32 $0x1  }
0xc1: {  	_ =	sfence.sel $0xFFFF  }
0xc2: {  	[dreg:$0x0] =	wrdreg $0xFFFFFFFF;
	(pc) =	sbr.abs _section_cstart, $3  }
0xc3: {  	[dreg:$0x1] =	wrdreg $0xFFFFFFFF  }
0xc4: {  	_ =	task.clear_ibuf [dreg:s9], $0x2FFFF;
	_ =	strace $0x9FFFFFFF  }
0xc5: {  	(tm) =	ssettm $0x7FFFFFFF  }
tec
execute0_lowered:
.L_overlay_start_1:
0x0: {  	(tag) =	ssettag $0x1  }
0x1: {  	s4 =	rddreg [dreg:$0x0]  }
0x2: {  	s2 =	rddreg [dreg:$0x1]  }
0x3: {  	s5 =	rddreg [dreg:$0x2]  }
0x4: {  	s3 =	srdreg.scid;
	s1 =	stileid.u32  }
0x5: {  	s0 =	rddreg [dreg:$0x3];
	s10 =	simm.s32 $0x8000;
	s11 =	simm.s32 $0x1  }
0x6: {  	s12 =	simm.s32 $0x0;
	s6 =	sand.u32 $0x1, s3;
	s7 =	sshll.u32 s1, $0x1  }
0x7: {  	s3 =	simm.s32 $0x0;
	s8 =	ssub.s32 $0x2, s6;
	s6 =	sor.u32 s6, s7  }
0x8: {  	[smem:$0x7FF] =	sst s3;
	s31 =	sshrl.u32 s8, $0x1;
	s9 =	smul.u32 $0xC80, s6  }
0x9: {  	_ =	strace $0x80000047;
	s6 =	sshll.u32 s6, $0x7;
	s7 =	ssub.s32 s8, s31  }
0xa: {  	v0 =	vlaneseq.u32;
	s5 =	sadd.s32 s5, s6;
	s8 =	simm.s32 $0x6400;
	s4 =	sadd.s32 s4, s9  }
0xb: {  	v0 =	vmul.u32 $0xC8, v0;
	s6 =	smax.u32 s7, $0x1;
	s7 =	simm.s32 $0x2;
	s9 =	simm.s32 $0x400  }
.LBB2_1:
0xc: {  	[tilespmem:s3], [sflag:$0x2] =	stream.linear.gather [hbm4b:s4+s3], $0x6400, $0x38;
	[tilespmem:$0x1A400] =	vst v63  }
0xd: {  	_ =	swait.ge [sflag:s7], $0x6400  }
0xe: {  	[sflag:s7] =	ssyncset.done $0x0  }
0xf: {  	[sflag:s7] =	ssyncadd.s32 $0xFFFF9C00  }
0x10: {  	[tilespmem:s8], [sflag:$0x2] =	stream.linear.gather [hbm4b:s2+s3], $0x4000, $0x38;
	[tilespmem:$0x1A400] =	vst v63  }
0x11: {  	_ =	swait.ge [sflag:s7], $0x4000  }
0x12: {  	[sflag:s7] =	ssyncset.done $0x0  }
0x13: {  	s13 =	simm.s32 $0x0;
	s14 =	simm.s32 $0x0;
	[sflag:s7] =	ssyncadd.s32 $0xFFFFC000  }
.LBB2_2:
0x14: {  	s15 =	sshll.u32 s13, $0xE;
	p0 =	slt.u32 s14, $0x4;
	s30 =	sshll.u32 s14, $0xE  }
0x15: {  	s19 =	sshll.u32 s14, $0x1;
	s20 =	simm.s32 $0x0;
	s17 =	simm.s32 @!p0 $0x1  }
0x16: {  	s16 =	sand.u32 $0xC000, s15;
	s31 =	sand.u32 $0xC000, s30;
	_ =	swait.ge @!p0 [sflag:s17], $0x4000  }
0x17: {  	s15 =	sadd.s32 $0xCB80, s16;
	s18 =	sadd.s32 $0xA800, s16;
	[sflag:s17] =	ssyncset.done @!p0 $0x0  }
0x18: {  	s16 =	sshll.u32 s14, $0x10;
	[sflag:s17] =	ssyncadd.s32 @!p0 $0xFFFFC000;
	s17 =	sadd.s32 $0xA400, s31  }
.LBB2_3:
0x19: {  	s21 =	smul.u32 $0xC80, s20;
	_ =	sdelay $0x1  }
0x1a: {  	s21 =	sadd.s32 s19, s21  }
0x1b: {  	v1 =	vadd.s32 s21, v0;
	_ =	sdelay $0x4  }
0x1c: {  	v1 =	vld.idx.msk [tilespmem:v1+s3+$0x0], $0xffff;
	_ =	sdelay $0x4  }
0x1d: {  	vm0 =	vlt.s32 v1, $0xFF  }
0x1e: {  	s26 =	simm.s32 $0xF00;
	v1 =	vnsel vm0, $0xFF, v1  }
0x1f: {  	s22 =	simm.s32 $0xE00;
	v2 =	vadd.s32 s26, v1  }
0x20: {  	s28 =	simm.s32 $0x100;
	v3 =	vadd.s32 s22, v1  }
0x21: {  	s30 =	simm.s32 $0x300;
	v4 =	vadd.s32 s28, v1  }
0x22: {  	s29 =	simm.s32 $0x200;
	v6 =	vadd.s32 s30, v1  }
0x23: {  	s31 =	simm.s32 $0x400;
	v5 =	vadd.s32 s29, v1  }
0x24: {  	s23 =	simm.s32 $0x500;
	v7 =	vadd.s32 s31, v1;
	v2 =	vld.idx.msk [tilespmem:v2+s8+$0x0], $0xffff  }
0x25: {  	s22 =	simm.s32 $0x0;
	v9 =	vadd.s32 s23, v1;
	v3 =	vld.idx.msk [tilespmem:v3+s8+$0x0], $0xffff  }
0x26: {  	s24 =	simm.s32 $0x600;
	v8 =	vadd.s32 s22, v1;
	v4 =	vld.idx.msk [tilespmem:v4+s8+$0x0], $0xffff  }
0x27: {  	s25 =	simm.s32 $0x700;
	v10 =	vadd.s32 s24, v1;
	v6 =	vld.idx.msk [tilespmem:v6+s8+$0x0], $0xffff  }
0x28: {  	s26 =	simm.s32 $0x800;
	v12 =	vadd.s32 s25, v1;
	v5 =	vld.idx.msk [tilespmem:v5+s8+$0x0], $0xffff  }
0x29: {  	s28 =	simm.s32 $0x900;
	v13 =	vadd.s32 s26, v1;
	v7 =	vld.idx.msk [tilespmem:v7+s8+$0x0], $0xffff  }
0x2a: {  	s29 =	simm.s32 $0xA00;
	v14 =	vadd.s32 s28, v1;
	v11 =	vld.idx.msk [tilespmem:v9+s8+$0x0], $0xffff  }
0x2b: {  	s30 =	simm.s32 $0xB00;
	v16 =	vadd.s32 s29, v1;
	v15 =	vld.idx.msk [tilespmem:v8+s8+$0x0], $0xffff;
	[tilespmem:s18+$0x300] =	vst v3  }
0x2c: {  	s23 =	simm.s32 $0xC00;
	v10 =	vld.idx.msk [tilespmem:v10+s8+$0x0], $0xffff;
	[tilespmem:s18+$0xFFFFFD80] =	vst v6;
	v6 =	vadd.s32 s30, v1  }
0x2d: {  	s31 =	simm.s32 $0xD00;
	v9 =	vld.idx.msk [tilespmem:v12+s8+$0x0], $0xffff;
	[tilespmem:s18+$0xFFFFFC80] =	vst v4;
	v4 =	vadd.s32 s23, v1  }
0x2e: {  	v8 =	vld.idx.msk [tilespmem:v13+s8+$0x0], $0xffff;
	[tilespmem:s18+$0xFFFFFD00] =	vst v5;
	v3 =	vadd.s32 s31, v1  }
0x2f: {  	[tilespmem:s18+$0xFFFFFE00] =	vst v7;
	v7 =	vld.idx.msk [tilespmem:v14+s8+$0x0], $0xffff  }
0x30: {  	s21 =	smov.u32 s18;
	s22 =	simm.s32 $0x0;
	v5 =	vld.idx.msk [tilespmem:v16+s8+$0x0], $0xffff;
	s23 =	simm.s32 $0x1F00;
	[tilespmem:s18+$0xFFFFFC00] =	vst v15  }
.LBB2_4:
0x31: {  	s24 =	sadd.s32 $0xFFFFF200, s23;
	s25 =	sadd.s32 $0xFFFFFF00, s23;
	v12 =	vadd.s32 s23, v1;
	s22 =	sadd.s32 $0x10, s22;
	[tilespmem:s21+$0xFFFFFE80] =	vst v11;
	v11 =	vld.idx.msk [tilespmem:v6+s8+$0x0], $0xffff  }
0x32: {  	s26 =	sadd.s32 $0xFFFFF400, s23;
	v13 =	vadd.s32 s24, v1;
	s24 =	sadd.s32 $0xFFFFF300, s23;
	v14 =	vadd.s32 s25, v1;
	p0 =	slt.u32 s22, $0x30;
	[tilespmem:s21+$0xFFFFFF00] =	vst v10;
	v10 =	vld.idx.msk [tilespmem:v4+s8+$0x0], $0xffff  }
0x33: {  	v16 =	vadd.s32 s26, v1;
	s25 =	sadd.s32 $0xFFFFF600, s23;
	s26 =	sadd.s32 $0xFFFFF700, s23;
	v15 =	vadd.s32 s24, v1;
	s24 =	sadd.s32 $0xFFFFF500, s23;
	[tilespmem:s21+$0xFFFFFF80] =	vst v9;
	v9 =	vld.idx.msk [tilespmem:v3+s8+$0x0], $0xffff  }
0x34: {  	v18 =	vadd.s32 s25, v1;
	v19 =	vadd.s32 s26, v1;
	s25 =	sadd.s32 $0xFFFFF900, s23;
	s26 =	sadd.s32 $0xFFFFFA00, s23;
	v17 =	vadd.s32 s24, v1;
	s24 =	sadd.s32 $0xFFFFF800, s23;
	[tilespmem:s21+$0x0] =	vst v8  }
0x35: {  	v20 =	vadd.s32 s25, v1;
	v21 =	vadd.s32 s26, v1;
	s25 =	sadd.s32 $0xFFFFFC00, s23;
	s26 =	sadd.s32 $0xFFFFFD00, s23;
	v8 =	vadd.s32 s24, v1;
	s24 =	sadd.s32 $0xFFFFFB00, s23;
	[tilespmem:s21+$0x80] =	vst v7  }
0x36: {  	s28 =	sadd.s32 $0xFFFFF100, s23;
	v6 =	vadd.s32 s25, v1;
	v4 =	vadd.s32 s26, v1;
	v22 =	vadd.s32 s24, v1;
	s24 =	sadd.s32 $0xFFFFFE00, s23;
	v7 =	vld.idx.msk [tilespmem:v12+s8+$0x0], $0xffff  }
0x37: {  	v12 =	vadd.s32 s28, v1;
	v3 =	vadd.s32 s24, v1;
	v14 =	vld.idx.msk [tilespmem:v14+s8+$0x0], $0xffff;
	[tilespmem:s21+$0x100] =	vst v5  }
0x38: {  	v5 =	vld.idx.msk [tilespmem:v13+s8+$0x0], $0xffff;
	[tilespmem:s21+$0x180] =	vst v11  }
0x39: {  	v13 =	vld.idx.msk [tilespmem:v15+s8+$0x0], $0xffff;
	[tilespmem:s21+$0x200] =	vst v10  }
0x3a: {  	v15 =	vld.idx.msk [tilespmem:v16+s8+$0x0], $0xffff;
	[tilespmem:s21+$0x280] =	vst v9  }
0x3b: {  	v16 =	vld.idx.msk [tilespmem:v17+s8+$0x0], $0xffff;
	[tilespmem:s21+$0x380] =	vst v2  }
0x3c: {  	s21 =	sadd.s32 $0x800, s21;
	v2 =	vmov v7;
	v12 =	vld.idx.msk [tilespmem:v12+s8+$0x0], $0xffff  }
0x3d: {  	v11 =	vld.idx.msk [tilespmem:v18+s8+$0x0], $0xffff;
	[tilespmem:s21+$0x300] =	vst v14  }
.Ltmp0:
0x3e: {  	[tilespmem:s21+$0xFFFFFC80] =	vst v5;
	v10 =	vld.idx.msk [tilespmem:v19+s8+$0x0], $0xffff;
	(pc) =	sbr.rel @p0 .LBB2_4-.Ltmp0, $4  }
0x3f: {  	[tilespmem:s21+$0xFFFFFD00] =	vst v13;
	v9 =	vld.idx.msk [tilespmem:v8+s8+$0x0], $0xffff  }
0x40: {  	[tilespmem:s21+$0xFFFFFD80] =	vst v15;
	v8 =	vld.idx.msk [tilespmem:v20+s8+$0x0], $0xffff  }
0x41: {  	[tilespmem:s21+$0xFFFFFE00] =	vst v16;
	v7 =	vld.idx.msk [tilespmem:v21+s8+$0x0], $0xffff  }
0x42: {  	s23 =	sadd.s32 $0x1000, s23;
	[tilespmem:s21+$0xFFFFFC00] =	vst v12;
	v5 =	vld.idx.msk [tilespmem:v22+s8+$0x0], $0xffff  }
0x43: {  	_ =	sdelay $0x1  }
0x44: {  	[tilespmem:s21+$0xFFFFFE80] =	vst v11  }
0x45: {  	[tilespmem:s21+$0xFFFFFF00] =	vst v10  }
0x46: {  	v1 =	vld.idx.msk [tilespmem:v6+s8+$0x0], $0xffff;
	[tilespmem:s21+$0x380] =	vst v2  }
0x47: {  	v4 =	vld.idx.msk [tilespmem:v4+s8+$0x0], $0xffff;
	s20 =	sadd.s32 $0x1, s20;
	[tilespmem:s21+$0xFFFFFF80] =	vst v9  }
0x48: {  	v3 =	vld.idx.msk [tilespmem:v3+s8+$0x0], $0xffff;
	p0 =	sne.s32 s20, $0x8;
	[tilespmem:s21+$0x0] =	vst v8  }
.Ltmp1:
0x49: {  	[tilespmem:s21+$0x80] =	vst v7;
	(pc) =	sbr.rel @p0 .LBB2_3-.Ltmp1, $4  }
0x4a: {  	[tilespmem:s21+$0x100] =	vst v5  }
0x4b: {  	[tilespmem:s21+$0x180] =	vst v1  }
0x4c: {  	[tilespmem:s21+$0x200] =	vst v4  }
0x4d: {  	s18 =	sadd.s32 $0x10, s18;
	[tilespmem:s21+$0x280] =	vst v3  }
0x4e: {  	s18 =	sor.u32 $0x1, s19;
	s19 =	simm.s32 $0x0  }
.LBB2_7:
0x4f: {  	s20 =	smul.u32 $0xC80, s19;
	_ =	sdelay $0x1  }
0x50: {  	s20 =	sadd.s32 s20, s18  }
0x51: {  	v1 =	vadd.s32 s20, v0;
	_ =	sdelay $0x4  }
0x52: {  	v1 =	vld.idx.msk [tilespmem:v1+s3+$0x0], $0xffff;
	_ =	sdelay $0x4  }
0x53: {  	vm0 =	vlt.s32 v1, $0xFF  }
0x54: {  	s28 =	simm.s32 $0xF00;
	v1 =	vnsel vm0, $0xFF, v1  }
0x55: {  	s21 =	simm.s32 $0xE00;
	v2 =	vadd.s32 s28, v1  }
0x56: {  	s29 =	simm.s32 $0x100;
	v3 =	vadd.s32 s21, v1  }
0x57: {  	s31 =	simm.s32 $0x300;
	v4 =	vadd.s32 s29, v1  }
0x58: {  	s30 =	simm.s32 $0x200;
	v6 =	vadd.s32 s31, v1  }
0x59: {  	s22 =	simm.s32 $0x0;
	v5 =	vadd.s32 s30, v1  }
0x5a: {  	s23 =	simm.s32 $0x500;
	v8 =	vadd.s32 s22, v1;
	v2 =	vld.idx.msk [tilespmem:v2+s8+$0x0], $0xffff  }
0x5b: {  	s21 =	simm.s32 $0x400;
	v9 =	vadd.s32 s23, v1;
	v3 =	vld.idx.msk [tilespmem:v3+s8+$0x0], $0xffff  }
0x5c: {  	s24 =	simm.s32 $0x600;
	v7 =	vadd.s32 s21, v1;
	v4 =	vld.idx.msk [tilespmem:v4+s8+$0x0], $0xffff  }
0x5d: {  	s25 =	simm.s32 $0x700;
	v10 =	vadd.s32 s24, v1;
	v6 =	vld.idx.msk [tilespmem:v6+s8+$0x0], $0xffff  }
0x5e: {  	s26 =	simm.s32 $0x800;
	v12 =	vadd.s32 s25, v1;
	v5 =	vld.idx.msk [tilespmem:v5+s8+$0x0], $0xffff  }
0x5f: {  	v13 =	vadd.s32 s26, v1;
	s29 =	simm.s32 $0xA00;
	v15 =	vld.idx.msk [tilespmem:v8+s8+$0x0], $0xffff  }
0x60: {  	s28 =	simm.s32 $0x900;
	v16 =	vadd.s32 s29, v1;
	v11 =	vld.idx.msk [tilespmem:v9+s8+$0x0], $0xffff  }
0x61: {  	s30 =	simm.s32 $0xB00;
	v14 =	vadd.s32 s28, v1;
	v7 =	vld.idx.msk [tilespmem:v7+s8+$0x0], $0xffff;
	[tilespmem:s15+$0xFFFFFF80] =	vst v3  }
0x62: {  	s22 =	simm.s32 $0xC00;
	v10 =	vld.idx.msk [tilespmem:v10+s8+$0x0], $0xffff;
	[tilespmem:s15+$0xFFFFFA00] =	vst v6;
	v6 =	vadd.s32 s30, v1  }
0x63: {  	s31 =	simm.s32 $0xD00;
	v9 =	vld.idx.msk [tilespmem:v12+s8+$0x0], $0xffff;
	[tilespmem:s15+$0xFFFFF900] =	vst v4;
	v4 =	vadd.s32 s22, v1  }
0x64: {  	v8 =	vld.idx.msk [tilespmem:v13+s8+$0x0], $0xffff;
	[tilespmem:s15+$0xFFFFF980] =	vst v5;
	v3 =	vadd.s32 s31, v1  }
0x65: {  	[tilespmem:s15+$0xFFFFF880] =	vst v15;
	v5 =	vld.idx.msk [tilespmem:v16+s8+$0x0], $0xffff  }
0x66: {  	s20 =	smov.u32 s15;
	s21 =	simm.s32 $0x0;
	s22 =	simm.s32 $0x1F00;
	[tilespmem:s15+$0xFFFFFA80] =	vst v7;
	v7 =	vld.idx.msk [tilespmem:v14+s8+$0x0], $0xffff  }
.LBB2_8:
0x67: {  	s23 =	sadd.s32 $0xFFFFF200, s22;
	s24 =	sadd.s32 $0xFFFFFF00, s22;
	v12 =	vadd.s32 s22, v1;
	s21 =	sadd.s32 $0x10, s21;
	[tilespmem:s20+$0xFFFFFB00] =	vst v11;
	v11 =	vld.idx.msk [tilespmem:v6+s8+$0x0], $0xffff  }
0x68: {  	s25 =	sadd.s32 $0xFFFFF400, s22;
	v13 =	vadd.s32 s23, v1;
	s23 =	sadd.s32 $0xFFFFF300, s22;
	v14 =	vadd.s32 s24, v1;
	p0 =	slt.u32 s21, $0x30;
	[tilespmem:s20+$0xFFFFFB80] =	vst v10;
	v10 =	vld.idx.msk [tilespmem:v4+s8+$0x0], $0xffff  }
0x69: {  	v16 =	vadd.s32 s25, v1;
	s24 =	sadd.s32 $0xFFFFF600, s22;
	s25 =	sadd.s32 $0xFFFFF700, s22;
	v15 =	vadd.s32 s23, v1;
	s23 =	sadd.s32 $0xFFFFF500, s22;
	[tilespmem:s20+$0xFFFFFC00] =	vst v9;
	v9 =	vld.idx.msk [tilespmem:v3+s8+$0x0], $0xffff  }
0x6a: {  	v18 =	vadd.s32 s24, v1;
	v19 =	vadd.s32 s25, v1;
	s24 =	sadd.s32 $0xFFFFF900, s22;
	s25 =	sadd.s32 $0xFFFFFA00, s22;
	v17 =	vadd.s32 s23, v1;
	s23 =	sadd.s32 $0xFFFFF800, s22;
	[tilespmem:s20+$0xFFFFFC80] =	vst v8  }
0x6b: {  	v20 =	vadd.s32 s24, v1;
	v21 =	vadd.s32 s25, v1;
	s24 =	sadd.s32 $0xFFFFFC00, s22;
	s25 =	sadd.s32 $0xFFFFFD00, s22;
	v8 =	vadd.s32 s23, v1;
	s23 =	sadd.s32 $0xFFFFFB00, s22;
	[tilespmem:s20+$0xFFFFFD00] =	vst v7  }
0x6c: {  	s26 =	sadd.s32 $0xFFFFF100, s22;
	v6 =	vadd.s32 s24, v1;
	v4 =	vadd.s32 s25, v1;
	v22 =	vadd.s32 s23, v1;
	s23 =	sadd.s32 $0xFFFFFE00, s22;
	v7 =	vld.idx.msk [tilespmem:v12+s8+$0x0], $0xffff  }
0x6d: {  	v12 =	vadd.s32 s26, v1;
	v3 =	vadd.s32 s23, v1;
	v14 =	vld.idx.msk [tilespmem:v14+s8+$0x0], $0xffff;
	[tilespmem:s20+$0xFFFFFD80] =	vst v5  }
0x6e: {  	v5 =	vld.idx.msk [tilespmem:v13+s8+$0x0], $0xffff;
	[tilespmem:s20+$0xFFFFFE00] =	vst v11  }
0x6f: {  	v13 =	vld.idx.msk [tilespmem:v15+s8+$0x0], $0xffff;
	[tilespmem:s20+$0xFFFFFE80] =	vst v10  }
0x70: {  	v15 =	vld.idx.msk [tilespmem:v16+s8+$0x0], $0xffff;
	[tilespmem:s20+$0xFFFFFF00] =	vst v9  }
0x71: {  	v16 =	vld.idx.msk [tilespmem:v17+s8+$0x0], $0xffff;
	[tilespmem:s20+$0x0] =	vst v2  }
0x72: {  	s20 =	sadd.s32 $0x800, s20;
	v2 =	vmov v7;
	v12 =	vld.idx.msk [tilespmem:v12+s8+$0x0], $0xffff  }
0x73: {  	v11 =	vld.idx.msk [tilespmem:v18+s8+$0x0], $0xffff;
	[tilespmem:s20+$0xFFFFFF80] =	vst v14  }
.Ltmp2:
0x74: {  	[tilespmem:s20+$0xFFFFF900] =	vst v5;
	v10 =	vld.idx.msk [tilespmem:v19+s8+$0x0], $0xffff;
	(pc) =	sbr.rel @p0 .LBB2_8-.Ltmp2, $4  }
0x75: {  	[tilespmem:s20+$0xFFFFF980] =	vst v13;
	v9 =	vld.idx.msk [tilespmem:v8+s8+$0x0], $0xffff  }
0x76: {  	[tilespmem:s20+$0xFFFFFA00] =	vst v15;
	v8 =	vld.idx.msk [tilespmem:v20+s8+$0x0], $0xffff  }
0x77: {  	[tilespmem:s20+$0xFFFFFA80] =	vst v16;
	v7 =	vld.idx.msk [tilespmem:v21+s8+$0x0], $0xffff  }
0x78: {  	s22 =	sadd.s32 $0x1000, s22;
	[tilespmem:s20+$0xFFFFF880] =	vst v12;
	v5 =	vld.idx.msk [tilespmem:v22+s8+$0x0], $0xffff  }
0x79: {  	_ =	sdelay $0x1  }
0x7a: {  	[tilespmem:s20+$0xFFFFFB00] =	vst v11  }
0x7b: {  	[tilespmem:s20+$0xFFFFFB80] =	vst v10  }
0x7c: {  	v1 =	vld.idx.msk [tilespmem:v6+s8+$0x0], $0xffff;
	[tilespmem:s20+$0x0] =	vst v2  }
0x7d: {  	v4 =	vld.idx.msk [tilespmem:v4+s8+$0x0], $0xffff;
	s19 =	sadd.s32 $0x1, s19;
	[tilespmem:s20+$0xFFFFFC00] =	vst v9  }
0x7e: {  	v3 =	vld.idx.msk [tilespmem:v3+s8+$0x0], $0xffff;
	p0 =	sne.s32 s19, $0x8;
	[tilespmem:s20+$0xFFFFFC80] =	vst v8  }
.Ltmp3:
0x7f: {  	[tilespmem:s20+$0xFFFFFD00] =	vst v7;
	(pc) =	sbr.rel @p0 .LBB2_7-.Ltmp3, $4  }
0x80: {  	[tilespmem:s20+$0xFFFFFD80] =	vst v5  }
0x81: {  	[tilespmem:s20+$0xFFFFFE00] =	vst v1  }
0x82: {  	[tilespmem:s20+$0xFFFFFE80] =	vst v4  }
0x83: {  	s15 =	sadd.s32 $0x10, s15;
	[tilespmem:s20+$0xFFFFFF00] =	vst v3  }
0x84: {  	s14 =	sadd.s32 $0x1, s14  }
0x85: {  	p0 =	sne.s32 s14, $0x64  }
.Ltmp4:
0x86: {  	_ = 	snop;
	(pc) =	sbr.rel @p0 .LBB2_2-.Ltmp4, $3  }
0x87: {  	_ =	sdelay $0x1  }
0x88: {  	s15 =	sadd.s32 s16, s5;
	s13 =	sadd.s32 $0x1, s13  }
0x89: {  	[hbm4b:s15+s9] =	stream.strided.scatter [tilespmem:s17], [sflag:$0x1], $0x4000, s10, s9, $0x38;
	[tilespmem:$0x1A400] =	vst v63  }
0x8a: {  	_ =	swait.ge [sflag:s11], $0x4000  }
0x8b: {  	[sflag:s11] =	ssyncset.done $0x0  }
0x8c: {  	[sflag:s11] =	ssyncadd.s32 $0xFFFFC000  }
0x8d: {  	_ =	swait.ge [sflag:s11], $0x4000  }
0x8e: {  	[sflag:s11] =	ssyncset.done $0x0  }
0x8f: {  	s12 =	sadd.s32 $0x1, s12;
	[sflag:s11] =	ssyncadd.s32 $0xFFFFC000  }
0x90: {  	p0 =	sne.s32 s12, s6;
	_ =	swait.ge [sflag:s11], $0x4000  }
.Ltmp5:
0x91: {  	[sflag:s11] =	ssyncset.done $0x0;
	(pc) =	sbr.rel @p0 .LBB2_1-.Ltmp5, $4  }
0x92: {  	[sflag:s11] =	ssyncadd.s32 $0xFFFFC000  }
0x93: {  	_ =	swait.ge [sflag:s11], $0x4000  }
0x94: {  	[sflag:s11] =	ssyncset.done $0x0  }
0x95: {  	[sflag:s11] =	ssyncadd.s32 $0xFFFFC000  }
0x96: {  	_ =	sfence.sel $0x180000  }
0x97: {  	[bflag:$0x0] =	sbarrier.arrive $0xFFFF  }
0x98: {  	p0 =	sne.s32 s1, $0x0;
	_ =	strace $0x90000047  }
0x99: {  	s0 =	sadd.s32 @!p0 $0x100000, s0;
	[bflag:$0x2] =	sbarrier.arrive $0xFFFF  }
0x9a: {  	[sflag:s0] =	ssyncadd.tile.s32 @!p0 $0x1;
	_ =	shalt  }
.Lfunc_end2:
_tile_overlayer_lowered:
.L_overlay_start_2:
0x9b: {  	(tag) =	ssettag $0x2  }
0x9c: {  	s0 =	rddreg [dreg:$0x0];
	s2 =	stileid.u32  }
0x9d: {  	s1 =	rddreg [dreg:$0x1];
	p0 =	sne.s32 s2, $0x0  }
0x9e: {  	s3 =	rddreg [dreg:$0x2];
	[bflag:$0x3] =	sbarrier.arrive $0xFFFF;
	s2 =	simm.s32 @!p0 $0x1C02  }
0x9f: {  	[timem:s3], [sflag:s2] =	dma.local @!p0 [hbm:s0], s1  }
0xa0: {  	s0 =	simm.s32 @!p0 $0x2  }
0xa1: {  	_ =	swait.ge @!p0 [sflag:s0], s1  }
0xa2: {  	s1 =	ssub.s32 @!p0 $0x0, s1;
	[sflag:s0] =	ssyncset.done @!p0 $0x0  }
0xa3: {  	[sflag:s0] =	ssyncadd.s32 @!p0 s1  }
0xa4: {  	[bflag:$0x3] =	sbarrier.arrive $0xFFFF  }
0xa5: {  	_ =	shalt  }

</sc_bundles>
